<compile_context>
chip_gen: v7x
topology: tpu7x:2x2x1
jax: 0.10.2.dev20260603
libtpu: 0.0.44.dev20260713+nightly
codegen_flags: <defaults>
</compile_context>

<pallas_src>
import functools

import jax
import jax.numpy as jnp
from jax import lax
from jax.experimental import pallas as pl
from jax.experimental.pallas import tpu as pltpu
from jax.experimental.pallas import tpu_sc as plsc

NC, NS = 2, 16
NW = NC * NS
G = 64


@functools.partial(jax.jit, static_argnums=(2, 3))
def _sc_emb_gather(emb, idx3, K, C):
    D = emb.shape[1]
    BW = K * C
    NP = NW * BW
    mesh = plsc.VectorSubcoreMesh(core_axis_name="c", subcore_axis_name="s")

    @functools.partial(
        pl.kernel,
        mesh=mesh,
        out_type=jax.ShapeDtypeStruct((NP, D), jnp.float32),
        scratch_types=[
            pltpu.VMEM((K, C), jnp.int32),
            pltpu.VMEM((C, D), jnp.float32),
            pltpu.SemaphoreType.DMA,
        ],
    )
    def k(emb_hbm, idx_hbm, out_hbm, idx_v, rows_v, sem):
        cid = lax.axis_index("c")
        sid = lax.axis_index("s")
        wid = sid * NC + cid
        pltpu.sync_copy(idx_hbm.at[wid], idx_v)

        def chunk(j, _):
            pltpu.async_copy(emb_hbm.at[idx_v.at[j]], rows_v, sem).wait()
            pltpu.sync_copy(rows_v, out_hbm.at[pl.ds(wid * BW + j * C, C)])
            return 0

        lax.fori_loop(0, K, chunk, 0)

    return k(emb, idx3)


@functools.partial(jax.jit, static_argnums=(3, 4))
def _sc_edge_agg(m, src, dst, K, C):
    N, H = m.shape
    E = src.shape[0]
    EW = E // NS
    HALF = N // 2
    HP = HALF + 8
    ZB = 312
    ZW = 320
    ZR = 80
    mesh = plsc.VectorSubcoreMesh(core_axis_name="c", subcore_axis_name="s")

    @functools.partial(
        pl.kernel,
        mesh=mesh,
        out_type=jax.ShapeDtypeStruct((NC, HP, H), jnp.float32),
        scratch_types=[
            pltpu.VMEM((C,), jnp.int32),
            pltpu.VMEM((C,), jnp.int32),
            pltpu.VMEM((C,), jnp.int32),
            pltpu.VMEM((C, H), jnp.float32),
            pltpu.VMEM((ZR, H), jnp.float32),
            pltpu.VMEM_SHARED((HP, H), jnp.float32),
            pltpu.SemaphoreType.DMA,
        ],
    )
    def k(m_hbm, src_hbm, dst_hbm, out_hbm, si_v, di_v, di2_v, rows_v, z_v,
          agg_sh, sem):
        cid = lax.axis_index("c")
        sid = lax.axis_index("s")
        base = sid * ZB
        lo = cid * HALF

        nvec = H // 16

        def zrow(i, _):
            z_v[i // nvec, pl.ds((i % nvec) * 16, 16)] = jnp.zeros((16,), jnp.float32)
            return 0

        lax.fori_loop(0, ZR * nvec, zrow, 0)

        def zcp(t, _):
            pltpu.sync_copy(z_v, agg_sh.at[pl.ds(base + t * ZR, ZR)])
            return 0

        lax.fori_loop(0, ZW // ZR, zcp, 0)
        plsc.subcore_barrier()

        def chunk(j, _):
            eb = sid * EW + j * C
            pltpu.sync_copy(src_hbm.at[pl.ds(eb, C)], si_v)
            pltpu.sync_copy(dst_hbm.at[pl.ds(eb, C)], di_v)

            def vfix(v, _):
                d = di_v[pl.ds(v * 16, 16)]
                dl = d - lo
                ok = (dl >= 0) & (dl < HALF)
                di2_v[pl.ds(v * 16, 16)] = jnp.where(ok, dl, HALF)
                return 0

            lax.fori_loop(0, C // 16, vfix, 0)
            pltpu.async_copy(m_hbm.at[si_v], rows_v, sem).wait()
            pltpu.sync_copy(rows_v, agg_sh.at[di2_v], add=True)
            return 0

        lax.fori_loop(0, K, chunk, 0)
        plsc.subcore_barrier()

        pltpu.sync_copy(
            agg_sh.at[pl.ds(base, ZW)], out_hbm.at[cid, pl.ds(base, ZW)]
        )

    return k(m, src, dst)


def _dotT(a, b):
    return lax.dot_general(a, b, (((1,), (1,)), ((), ())),
                           preferred_element_type=jnp.float32)



def _tc_map1(f, x, B=1000):
    N, H = x.shape

    def body(x_ref, o_ref):
        o_ref[...] = f(x_ref[...])

    return pl.pallas_call(
        body,
        grid=(N // B,),
        in_specs=[pl.BlockSpec((B, H), lambda i: (i, 0))],
        out_specs=pl.BlockSpec((B, H), lambda i: (i, 0)),
        out_shape=jax.ShapeDtypeStruct((N, H), jnp.float32),
    )(x)

def _tc_proj(x, proj_w, proj_b2, w0, B=1000):
    N, D = x.shape
    H = proj_w.shape[0]

    def body(x_ref, pw_ref, pb_ref, w0_ref, h_ref, m_ref):
        h = _dotT(x_ref[...], pw_ref[...]) + pb_ref[...]
        h_ref[...] = h
        m_ref[...] = jnp.dot(h, w0_ref[...], preferred_element_type=jnp.float32)

    return pl.pallas_call(
        body,
        grid=(N // B,),
        in_specs=[
            pl.BlockSpec((B, D), lambda i: (i, 0)),
            pl.BlockSpec((H, D), lambda i: (0, 0)),
            pl.BlockSpec((1, H), lambda i: (0, 0)),
            pl.BlockSpec((H, H), lambda i: (0, 0)),
        ],
        out_specs=[
            pl.BlockSpec((B, H), lambda i: (i, 0)),
            pl.BlockSpec((B, H), lambda i: (i, 0)),
        ],
        out_shape=[jax.ShapeDtypeStruct((N, H), jnp.float32)] * 2,
    )(x, proj_w, proj_b2, w0)


def _sigmoid2(x):
    t = jnp.exp(-jnp.abs(x))
    return jnp.where(x >= 0, 1.0 / (1.0 + t), t / (1.0 + t))


def _sigmoid(x):
    return 0.5 * (jnp.tanh(0.5 * x) + 1.0)


def _gru_block(h, agg, wih_ref, whh_ref, bih_ref, bhh_ref):
    H = h.shape[1]
    gi = _dotT(agg, wih_ref[...]) + bih_ref[...]
    gh = _dotT(h, whh_ref[...]) + bhh_ref[...]
    r = jax.nn.sigmoid(gi[:, :H] + gh[:, :H])
    z = jax.nn.sigmoid(gi[:, H:2 * H] + gh[:, H:2 * H])
    n = jnp.tanh(gi[:, 2 * H:] + r * gh[:, 2 * H:])
    return (1.0 - z) * n + z * h


def _tc_gru(h, agg, wih, whh, bih2, bhh2, wnext, B=1000):
    N, H = h.shape

    def body(h_ref, a_ref, wih_ref, whh_ref, bih_ref, bhh_ref, wn_ref,
             ho_ref, mo_ref):
        h2 = _gru_block(h_ref[...], a_ref[...], wih_ref, whh_ref, bih_ref,
                        bhh_ref)
        ho_ref[...] = h2
        mo_ref[...] = jnp.dot(h2, wn_ref[...], preferred_element_type=jnp.float32)

    return pl.pallas_call(
        body,
        grid=(N // B,),
        in_specs=[
            pl.BlockSpec((B, H), lambda i: (i, 0)),
            pl.BlockSpec((B, H), lambda i: (i, 0)),
            pl.BlockSpec((3 * H, H), lambda i: (0, 0)),
            pl.BlockSpec((3 * H, H), lambda i: (0, 0)),
            pl.BlockSpec((1, 3 * H), lambda i: (0, 0)),
            pl.BlockSpec((1, 3 * H), lambda i: (0, 0)),
            pl.BlockSpec((H, H), lambda i: (0, 0)),
        ],
        out_specs=[
            pl.BlockSpec((B, H), lambda i: (i, 0)),
            pl.BlockSpec((B, H), lambda i: (i, 0)),
        ],
        out_shape=[jax.ShapeDtypeStruct((N, H), jnp.float32)] * 2,
    )(h, agg, wih, whh, bih2, bhh2, wnext)


def _tc_gru_pool_cls(h, agg, wih, whh, bih2, bhh2, batch2,
                     cls_w1, cls_b12, cls_w2, cls_b22, B=1000):
    N, H = h.shape
    HH = cls_w1.shape[0]
    nblk = N // B

    def body(h_ref, a_ref, wih_ref, whh_ref, bih_ref, bhh_ref, bat_ref,
             w1_ref, b1_ref, w2_ref, b2_ref, logit_ref, pool_ref, acc):
        i = pl.program_id(0)

        @pl.when(i == 0)
        def _():
            acc[...] = jnp.full((G, H), -jnp.inf, jnp.float32)

        h2 = _gru_block(h_ref[...], a_ref[...], wih_ref, whh_ref, bih_ref,
                        bhh_ref)
        bat = bat_ref[...]
        for g in range(G):
            mx = jnp.max(jnp.where(bat == g, h2, -jnp.inf), axis=0,
                         keepdims=True)
            acc[pl.ds(g, 1), :] = jnp.maximum(acc[pl.ds(g, 1), :], mx)

        @pl.when(i == nblk - 1)
        def _():
            pool = acc[...]
            pool_ref[...] = pool
            hid = jax.nn.relu(_dotT(pool, w1_ref[...]) + b1_ref[...])
            logit_ref[...] = (jnp.sum(hid * w2_ref[...], axis=1, keepdims=True)
                              + b2_ref[0, 0])

    return pl.pallas_call(
        body,
        grid=(nblk,),
        in_specs=[
            pl.BlockSpec((B, H), lambda i: (i, 0)),
            pl.BlockSpec((B, H), lambda i: (i, 0)),
            pl.BlockSpec((3 * H, H), lambda i: (0, 0)),
            pl.BlockSpec((3 * H, H), lambda i: (0, 0)),
            pl.BlockSpec((1, 3 * H), lambda i: (0, 0)),
            pl.BlockSpec((1, 3 * H), lambda i: (0, 0)),
            pl.BlockSpec((B, H), lambda i: (i, 0)),
            pl.BlockSpec((HH, H), lambda i: (0, 0)),
            pl.BlockSpec((1, HH), lambda i: (0, 0)),
            pl.BlockSpec((1, HH), lambda i: (0, 0)),
            pl.BlockSpec((1, 1), lambda i: (0, 0)),
        ],
        out_specs=[
            pl.BlockSpec((G, 1), lambda i: (0, 0)),
            pl.BlockSpec((G, H), lambda i: (0, 0)),
        ],
        out_shape=[
            jax.ShapeDtypeStruct((G, 1), jnp.float32),
            jax.ShapeDtypeStruct((G, H), jnp.float32),
        ],
        scratch_shapes=[pltpu.VMEM((G, H), jnp.float32)],
    )(h, agg, wih, whh, bih2, bhh2, batch2, cls_w1, cls_b12, cls_w2, cls_b22)


def kernel(x_lex, edge_index, batch, emb, proj_w, proj_b, ggnn_w,
           gru_wih, gru_whh, gru_bih, gru_bhh, cls_w1, cls_b1, cls_w2, cls_b2):
    N = x_lex.shape[0]
    E = edge_index.shape[1]
    H = proj_w.shape[0]
    L = ggnn_w.shape[0]

    x_lex = x_lex.astype(jnp.int32)
    edge_index = edge_index.astype(jnp.int32)
    batch = batch.astype(jnp.int32)

    CG = 64
    BW = -(-N // (NW * CG)) * CG
    NP = NW * BW
    idx_pad = jnp.pad(x_lex, (0, NP - N))
    idx3 = idx_pad.reshape(NW, BW // CG, CG)
    x = _sc_emb_gather(emb, idx3, BW // CG, CG)[:N]

    CE = 80
    KE = E // (NS * CE)
    src1 = edge_index[0]
    dst1 = edge_index[1]

    proj_b2 = proj_b.reshape(1, H)
    bih2 = gru_bih.reshape(1, 3 * H)
    bhh2 = gru_bhh.reshape(1, 3 * H)
    batch2 = jnp.broadcast_to(batch.reshape(N, 1), (N, H))
    cls_b12 = cls_b1.reshape(1, -1)
    cls_b22 = cls_b2.reshape(1, 1)

    h, m = _tc_proj(x, proj_w, proj_b2, ggnn_w[0])
    for i in range(L):
        aggp = _sc_edge_agg(m, src1, dst1, KE, CE)
        agg = jnp.concatenate([aggp[0, :N // 2], aggp[1, :N // 2]], axis=0)
        if i < L - 1:
            h, m = _tc_gru(h, agg, gru_wih, gru_whh, bih2, bhh2, ggnn_w[i + 1])
        else:
            logits, pool = _tc_gru_pool_cls(
                h, agg, gru_wih, gru_whh, bih2, bhh2, batch2,
                cls_w1, cls_b12, cls_w2, cls_b22)
    return (logits, pool)

# --- scband reference (transcript-rebuilt; emitter-appended) ---
"""Pipeline reference for scband-devign-baseline-42494406427516 (READ-ONLY COPY).

The authoritative reference and input builder live on the scoring server;
editing this copy changes nothing except your own understanding.
"""

import jax, jax.numpy as jnp
import numpy as np

N = 10000
E = 320000
V = 100000
D = 128
H = 128
L = 3
G = 64

def setup_inputs(seed: int = 0):
    key = jax.random.key(seed)
    ks = jax.random.split(key, 12)
    x_lex = jax.random.randint(ks[0], (N,), 0, V)
    edge_index = jax.random.randint(ks[1], (2, E), 0, N)
    batch = jnp.sort(jax.random.randint(ks[2], (N,), 0, G))
    emb = jax.random.normal(ks[3], (V, D), jnp.float32) * 0.02
    proj_w = jax.random.normal(ks[4], (H, D), jnp.float32) * (1.0 / np.sqrt(D))
    proj_b = jnp.zeros((H,), jnp.float32)
    ggnn_w = jax.random.normal(ks[5], (L, H, H), jnp.float32) * (1.0 / np.sqrt(H))
    gru_wih = jax.random.normal(ks[6], (3 * H, H), jnp.float32) * (1.0 / np.sqrt(H))
    gru_whh = jax.random.normal(ks[7], (3 * H, H), jnp.float32) * (1.0 / np.sqrt(H))
    gru_bih = jnp.zeros((3 * H,), jnp.float32)
    gru_bhh = jnp.zeros((3 * H,), jnp.float32)
    cls_w1 = jax.random.normal(ks[8], (H // 2, H), jnp.float32) * (1.0 / np.sqrt(H))
    cls_b1 = jnp.zeros((H // 2,), jnp.float32)
    cls_w2 = jax.random.normal(ks[9], (1, H // 2), jnp.float32) * (1.0 / np.sqrt(H // 2))
    cls_b2 = jnp.zeros((1,), jnp.float32)
    return {
        "x_lex": x_lex, "edge_index": edge_index, "batch": batch,
        "emb": emb, "proj_w": proj_w, "proj_b": proj_b, "ggnn_w": ggnn_w,
        "gru_wih": gru_wih, "gru_whh": gru_whh, "gru_bih": gru_bih, "gru_bhh": gru_bhh,
        "cls_w1": cls_w1, "cls_b1": cls_b1, "cls_w2": cls_w2, "cls_b2": cls_b2,
    }

def reference(x_lex, edge_index, batch, emb, proj_w, proj_b, ggnn_w,
              gru_wih, gru_whh, gru_bih, gru_bhh, cls_w1, cls_b1, cls_w2, cls_b2):
    # embedding lookup + input projection
    x = jnp.take(emb, x_lex, axis=0)
    h = x @ proj_w.T + proj_b
    src = edge_index[0]
    dst = edge_index[1]
    # GatedGraphConv: per layer, m = scatter_add(x_src @ W_l) then GRUCell(m, h)
    for i in range(L):
        m = h @ ggnn_w[i]
        msg = jnp.take(m, src, axis=0)
        agg = jax.ops.segment_sum(msg, dst, num_segments=N)
        gi = agg @ gru_wih.T + gru_bih
        gh = h @ gru_whh.T + gru_bhh
        i_r, i_z, i_n = jnp.split(gi, 3, axis=-1)
        h_r, h_z, h_n = jnp.split(gh, 3, axis=-1)
        r = jax.nn.sigmoid(i_r + h_r)
        z = jax.nn.sigmoid(i_z + h_z)
        n = jnp.tanh(i_n + r * h_n)
        h = (1.0 - z) * n + z * h
    # global max pool over graphs in the batch
    pool = jax.ops.segment_max(h, batch, num_segments=G)
    hid = jax.nn.relu(pool @ cls_w1.T + cls_b1)
    logits = hid @ cls_w2.T + cls_b2
    return (logits, pool)

if __name__ == "__main__":
    import jax
    _d = setup_inputs()
    print(jax.jit(kernel)(*tuple(_d.values())))

</pallas_src>

<mosaic_0001>
#map = affine_map<(d0, d1) -> (0, 0)>
#map1 = affine_map<(d0, d1) -> (0, 0, 0)>
module attributes {stable_mosaic.version = 14 : i64} {
  func.func @k(%arg0: i32, %arg1: i32, %arg2: memref<100000x128xf32, #tpu.memory_space<hbm>>, %arg3: memref<32x5x64xi32, #tpu.memory_space<hbm>>, %arg4: memref<10240x128xf32, #tpu.memory_space<hbm>>, %arg5: memref<5x64xi32, #tpu.memory_space<vmem>>, %arg6: memref<64x128xf32, #tpu.memory_space<vmem>>, %arg7: memref<!tpu.dma_semaphore, #tpu.memory_space<semaphore_mem>>) attributes {dimension_semantics = [#tpu.dimension_semantics<core_parallel>, #tpu.dimension_semantics<subcore_parallel>], iteration_bounds = array<i64: 2, 16>, scalar_prefetch = 0 : i64, scratch_operands = 3 : i64, tpu.core_type = #tpu.core_type<sc_vector_subcore>, window_params = [{transform_indices = #map}, {transform_indices = #map1}, {transform_indices = #map}]} {
    %mul3A = arith.constant 2 : i32
    %mul3A_0 = arith.muli %arg1, %mul3A : i32
    %add3A = arith.addi %mul3A_0, %arg0 : i32
    "tpu.region"() ({
      %run_scoped3A = tpu.sem_alloc : memref<!tpu.dma_semaphore, #tpu.memory_space<semaphore_mem>>
      %dma_start3A = arith.constant 0 : i32
      %dma_start3A_7 = arith.constant 0 : i32
      %dma_start3A_8 = tpu.memref_slice %arg3[%add3A, %dma_start3A, %dma_start3A_7] : memref<32x5x64xi32, #tpu.memory_space<hbm>> -> memref<1x5x64xi32, #tpu.memory_space<hbm>>
      %dma_start3A_9 = tpu.memref_squeeze %dma_start3A_8 : memref<1x5x64xi32, #tpu.memory_space<hbm>> -> memref<5x64xi32, #tpu.memory_space<hbm>>
      %dma_start3A_10 = arith.constant 0 : i32
      %dma_start3A_11 = arith.constant 0 : i32
      %dma_start3A_12 = tpu.memref_slice %arg3[%add3A, %dma_start3A_10, %dma_start3A_11] : memref<32x5x64xi32, #tpu.memory_space<hbm>> -> memref<1x5x64xi32, #tpu.memory_space<hbm>>
      %dma_start3A_13 = tpu.memref_squeeze %dma_start3A_12 : memref<1x5x64xi32, #tpu.memory_space<hbm>> -> memref<5x64xi32, #tpu.memory_space<hbm>>
      tpu.enqueue_dma source(%dma_start3A_13 : memref<5x64xi32, #tpu.memory_space<hbm>>) target(%arg5 : memref<5x64xi32, #tpu.memory_space<vmem>>) target_semaphore(%run_scoped3A : memref<!tpu.dma_semaphore, #tpu.memory_space<semaphore_mem>>)
      %dma_wait3A = arith.constant 0 : i32
      %dma_wait3A_14 = arith.constant 0 : i32
      %dma_wait3A_15 = tpu.memref_slice %arg3[%add3A, %dma_wait3A, %dma_wait3A_14] : memref<32x5x64xi32, #tpu.memory_space<hbm>> -> memref<1x5x64xi32, #tpu.memory_space<hbm>>
      %dma_wait3A_16 = tpu.memref_squeeze %dma_wait3A_15 : memref<1x5x64xi32, #tpu.memory_space<hbm>> -> memref<5x64xi32, #tpu.memory_space<hbm>>
      %dma_wait3A_17 = arith.constant 0 : i32
      %dma_wait3A_18 = arith.constant 0 : i32
      %dma_wait3A_19 = tpu.memref_slice %arg3[%add3A, %dma_wait3A_17, %dma_wait3A_18] : memref<32x5x64xi32, #tpu.memory_space<hbm>> -> memref<1x5x64xi32, #tpu.memory_space<hbm>>
      %dma_wait3A_20 = tpu.memref_squeeze %dma_wait3A_19 : memref<1x5x64xi32, #tpu.memory_space<hbm>> -> memref<5x64xi32, #tpu.memory_space<hbm>>
      tpu.wait_dma2 semaphore(%run_scoped3A : memref<!tpu.dma_semaphore, #tpu.memory_space<semaphore_mem>>) src(%dma_wait3A_20 : memref<5x64xi32, #tpu.memory_space<hbm>>) dst(%arg5 : memref<5x64xi32, #tpu.memory_space<vmem>>)
      tpu.yield
    }) : () -> ()
    %scan3A = arith.constant 0 : i32
    %scan3A_1 = arith.constant 0 : i32
    %scan3A_2 = arith.constant 5 : i32
    %scan3A_3 = arith.addi %scan3A_1, %scan3A_2 : i32
    %scan3A_4 = arith.constant 1 : i32
    %scan3A_5 = scf.for %scan3A_7 = %scan3A_1 to %scan3A_3 step %scan3A_4 iter_args(%scan3A_8 = %scan3A) -> (i32)  : i32 {
      %dma_start3A = arith.constant 0 : i32
      %dma_start3A_9 = tpu.memref_slice %arg5[%scan3A_7, %dma_start3A] : memref<5x64xi32, #tpu.memory_space<vmem>> -> memref<1x64xi32, #tpu.memory_space<vmem>>
      %dma_start3A_10 = tpu.memref_squeeze %dma_start3A_9 : memref<1x64xi32, #tpu.memory_space<vmem>> -> memref<64xi32, #tpu.memory_space<vmem>>
      %dma_start3A_11 = arith.constant 0 : i32
      %dma_start3A_12 = arith.constant 0 : i32
      %dma_start3A_13 = tpu.memref_slice %arg2[%dma_start3A_11, %dma_start3A_12] : memref<100000x128xf32, #tpu.memory_space<hbm>> -> memref<100000x128xf32, #tpu.memory_space<hbm>>
      tpu.enqueue_indirect_dma source(%dma_start3A_13 : memref<100000x128xf32, #tpu.memory_space<hbm>>) target(%arg6 : memref<64x128xf32, #tpu.memory_space<vmem>>) offsets(%dma_start3A_10 : memref<64xi32, #tpu.memory_space<vmem>>) semaphore(%arg7 : memref<!tpu.dma_semaphore, #tpu.memory_space<semaphore_mem>>)
      %dma_wait3A = arith.constant 0 : i32
      %dma_wait3A_14 = tpu.memref_slice %arg5[%scan3A_7, %dma_wait3A] : memref<5x64xi32, #tpu.memory_space<vmem>> -> memref<1x64xi32, #tpu.memory_space<vmem>>
      %dma_wait3A_15 = tpu.memref_squeeze %dma_wait3A_14 : memref<1x64xi32, #tpu.memory_space<vmem>> -> memref<64xi32, #tpu.memory_space<vmem>>
      %dma_wait3A_16 = arith.constant 0 : i32
      %dma_wait3A_17 = arith.constant 0 : i32
      %dma_wait3A_18 = tpu.memref_slice %arg2[%dma_wait3A_16, %dma_wait3A_17] : memref<100000x128xf32, #tpu.memory_space<hbm>> -> memref<100000x128xf32, #tpu.memory_space<hbm>>
      tpu.wait_indirect_dma semaphore(%arg7 : memref<!tpu.dma_semaphore, #tpu.memory_space<semaphore_mem>>) src(%dma_wait3A_18 : memref<100000x128xf32, #tpu.memory_space<hbm>>) dst(%arg6 : memref<64x128xf32, #tpu.memory_space<vmem>>)
      %mul3A_19 = arith.constant 320 : i32
      %mul3A_20 = arith.muli %add3A, %mul3A_19 : i32
      %mul3A_21 = arith.constant 64 : i32
      %mul3A_22 = arith.muli %scan3A_7, %mul3A_21 : i32
      %add3A_23 = arith.addi %mul3A_20, %mul3A_22 : i32
      "tpu.region"() ({
        %run_scoped3A = tpu.sem_alloc : memref<!tpu.dma_semaphore, #tpu.memory_space<semaphore_mem>>
        %dma_start3A_25 = arith.constant 0 : i32
        %dma_start3A_26 = tpu.memref_slice %arg4[%add3A_23, %dma_start3A_25] : memref<10240x128xf32, #tpu.memory_space<hbm>> -> memref<64x128xf32, #tpu.memory_space<hbm>>
        %dma_start3A_27 = arith.constant 0 : i32
        %dma_start3A_28 = tpu.memref_slice %arg4[%add3A_23, %dma_start3A_27] : memref<10240x128xf32, #tpu.memory_space<hbm>> -> memref<64x128xf32, #tpu.memory_space<hbm>>
        tpu.enqueue_dma source(%arg6 : memref<64x128xf32, #tpu.memory_space<vmem>>) target(%dma_start3A_28 : memref<64x128xf32, #tpu.memory_space<hbm>>) target_semaphore(%run_scoped3A : memref<!tpu.dma_semaphore, #tpu.memory_space<semaphore_mem>>)
        %dma_wait3A_29 = arith.constant 0 : i32
        %dma_wait3A_30 = tpu.memref_slice %arg4[%add3A_23, %dma_wait3A_29] : memref<10240x128xf32, #tpu.memory_space<hbm>> -> memref<64x128xf32, #tpu.memory_space<hbm>>
        %dma_wait3A_31 = arith.constant 0 : i32
        %dma_wait3A_32 = tpu.memref_slice %arg4[%add3A_23, %dma_wait3A_31] : memref<10240x128xf32, #tpu.memory_space<hbm>> -> memref<64x128xf32, #tpu.memory_space<hbm>>
        tpu.wait_dma2 semaphore(%run_scoped3A : memref<!tpu.dma_semaphore, #tpu.memory_space<semaphore_mem>>) src(%arg6 : memref<64x128xf32, #tpu.memory_space<vmem>>) dst(%dma_wait3A_32 : memref<64x128xf32, #tpu.memory_space<hbm>>)
        tpu.yield
      }) : () -> ()
      %scan3A_24 = arith.constant 0 : i32
      scf.yield %scan3A_24 : i32
    }
    %scan3A_6 = arith.constant 5 : i32
    return
  }
}

</mosaic_0001>

<sc_bundles>
// kernel: _sc_emb_gather.3.cloned.1.call-start
scs
__scs_entry_jumppad:
0x0: {  	(pc) =	sbr.rel $0x88, $3  }
0x1: {  	(tag) =	ssettag $0x0;
	lr =	simm.s32 $0x1  }
0x2: {  	[smem:$0x3F9F] =	sst lr;
	_ =	strace $0xD0000000  }
0x3: {  	_ = 	snop  }
0x4: {  	_ = 	snop  }
0x5: {  	_ = 	snop  }
0x6: {  	_ = 	snop  }
0x7: {  	_ = 	snop  }
__scs_overlays_trampoline_lowered:
0x8: {  	[smem:$0x3FAE] =	sst s0  }
0x9: {  	[smem:$0x3FAF] =	sst s1  }
0xa: {  	[smem:$0x3FB0] =	sst s2  }
0xb: {  	[smem:$0x3FB1] =	sst s3  }
0xc: {  	[smem:$0x3FB2] =	sst s4  }
0xd: {  	[smem:$0x3FB3] =	sst s5  }
0xe: {  	[smem:$0x3FB4] =	sst s6  }
0xf: {  	[smem:$0x3FB5] =	sst s7  }
0x10: {  	[smem:$0x3FB6] =	sst s8  }
0x11: {  	[smem:$0x3FB7] =	sst s9;
	s0 =	simm.s32 @!p0 $0x0  }
0x12: {  	s1 =	sld [smem:$0x3F9D];
	s0 =	simm.s32 @p0 $0x1  }
0x13: {  	[smem:$0x3FB8] =	sst s0;
	s0 =	simm.s32 @!p1 $0x0  }
0x14: {  	s2 =	sld [smem:$0x3F9C];
	s0 =	simm.s32 @p1 $0x1  }
0x15: {  	[smem:$0x3FB9] =	sst s0;
	s0 =	simm.s32 @!p2 $0x0  }
0x16: {  	s3 =	sld [smem:$0x3FDB];
	s0 =	simm.s32 @p2 $0x1  }
0x17: {  	s4 =	simm.s32 $0x1BF5;
	[smem:$0x3FBB] =	sst s0  }
0x18: {  	s0 =	sld [smem:$0x3F9E];
	_ =	swait.ge [sflag:s4], $0x0  }
0x19: {  	s7 =	sld [smem:$0x3F9F]  }
0x1a: {  	s8 =	sadd.s32 $0xFFFFE003, lr  }
0x1b: {  	s9 =	sadd.s32 $0xFFFFFEF7, lr;
	s5 =	simm.s32 $0xFFFFFFFF;
	p2 =	slt.u32 s8, $0xFFFFF086  }
0x1c: {  	p1 =	slt.u32 s9, $0xF7A;
	s5 =	simm.s32 @!p2 $0x0  }
0x1d: {  	s5 =	simm.s32 @p1 $0x1;
	p0 =	seq.s32 s7, s2  }
0x1e: {  	s7 =	smul.u32 @!p0 $0xF7A, s2;
	p2 =	seq.s32 @!p0 s5, $0x0  }
0x1f: {  	s9 =	smul.u32 $0xF7A, s1;
	s8 =	simm.s32 @!p0 $0x1BF5;
	p2 =	por !p2, p0  }
0x20: {  	[sflag:s8] =	ssyncset.s32 @!p0 $0xFFFFF086;
	s6 =	sadd.s32 @!p0 s3, s7;
	s7 =	simm.s32 @!p0 $0x108  }
0x21: {  	s3 =	sadd.s32 s3, s9;
	s6 =	sadd.s32 @!p0 $0x88, s6;
	s7 =	simm.s32 @p2 $0x1082  }
0x22: {  	[simem:s7], [sflag:s8] =	dma.local @!p0 [hbm:s6], $0xF7A  }
0x23: {  	s9 =	sor.u32 $0xD0000000, s2;
	s6 =	simm.s32 $0x108;
	_ =	swait.ge @!p0 [sflag:s8], $0x0  }
0x24: {  	s3 =	sadd.s32 $0x88, s3;
	s6 =	simm.s32 @!p1 $0x1082;
	[sflag:s4] =	ssyncset.s32 $0xFFFFF086  }
0x25: {  	[simem:s6], [sflag:s4] =	dma.local [hbm:s3], $0xF7A  }
0x26: {  	[smem:$0x3F9F] =	sst s1;
	(tag) =	ssettag s2;
	_ =	strace s9  }
0x27: {  	s1 =	sld [smem:$0x3FAF]  }
0x28: {  	s2 =	sld [smem:$0x3FB0]  }
0x29: {  	s4 =	sld [smem:$0x3FB2]  }
0x2a: {  	p0 =	seq.s32 s5, $0x0;
	s5 =	sld [smem:$0x3FB3]  }
0x2b: {  	s6 =	sld [smem:$0x3FB4]  }
0x2c: {  	s7 =	sld [smem:$0x3FB5]  }
0x2d: {  	s3 =	simm.s32 $0x108;
	s8 =	sld [smem:$0x3FB6]  }
0x2e: {  	s3 =	simm.s32 @!p0 $0x1082;
	s9 =	sld [smem:$0x3FB7]  }
0x2f: {  	lr =	sadd.s32 s0, s3;
	s0 =	sld [smem:$0x3FAE]  }
0x30: {  	s3 =	sld [smem:$0x3FB1]  }
0x31: {  	[smem:$0x3FBA] =	sst s10  }
0x32: {  	s10 =	sld [smem:$0x3FB8];
	_ =	sdelay $0x3  }
0x33: {  	p0 =	seq.s32 s10, $0x1;
	s10 =	sld [smem:$0x3FBA];
	_ =	sdelay $0x3  }
0x34: {  	[smem:$0x3FBA] =	sst s10  }
0x35: {  	s10 =	sld [smem:$0x3FB9];
	_ =	sdelay $0x3  }
0x36: {  	p1 =	seq.s32 s10, $0x1;
	s10 =	sld [smem:$0x3FBA];
	_ =	sdelay $0x3  }
0x37: {  	[smem:$0x3FBA] =	sst s10  }
0x38: {  	s10 =	sld [smem:$0x3FBB]  }
0x39: {  	_ = 	snop;
	(pc) =	sbr.ind lr, $3  }
0x3a: {  	_ = 	snop  }
0x3b: {  	_ = 	snop  }
0x3c: {  	p2 =	seq.s32 s10, $0x1;
	s10 =	sld [smem:$0x3FBA]  }
0x3d: {  	_ =	shalt  }
0x3e: {  	_ =	shalt  }
0x3f: {  	_ =	shalt  }
0x40: {  	_ =	shalt  }
0x41: {  	_ =	shalt  }
0x42: {  	_ =	shalt  }
0x43: {  	_ =	shalt  }
0x44: {  	_ =	shalt  }
0x45: {  	_ =	shalt  }
0x46: {  	_ =	shalt  }
0x47: {  	_ =	shalt  }
0x48: {  	_ =	shalt  }
0x49: {  	_ =	shalt  }
0x4a: {  	_ =	shalt  }
0x4b: {  	_ =	shalt  }
0x4c: {  	_ =	shalt  }
0x4d: {  	_ =	shalt  }
0x4e: {  	_ =	shalt  }
0x4f: {  	_ =	shalt  }
0x50: {  	_ =	shalt  }
0x51: {  	_ =	shalt  }
0x52: {  	_ =	shalt  }
0x53: {  	_ =	shalt  }
0x54: {  	_ =	shalt  }
0x55: {  	_ =	shalt  }
0x56: {  	_ =	shalt  }
0x57: {  	_ =	shalt  }
0x58: {  	_ =	shalt  }
0x59: {  	_ =	shalt  }
0x5a: {  	_ =	shalt  }
0x5b: {  	_ =	shalt  }
0x5c: {  	_ =	shalt  }
0x5d: {  	_ =	shalt  }
0x5e: {  	_ =	shalt  }
0x5f: {  	_ =	shalt  }
0x60: {  	_ =	shalt  }
0x61: {  	_ =	shalt  }
0x62: {  	_ =	shalt  }
0x63: {  	_ =	shalt  }
0x64: {  	_ =	shalt  }
0x65: {  	_ =	shalt  }
0x66: {  	_ =	shalt  }
0x67: {  	_ =	shalt  }
0x68: {  	_ =	shalt  }
0x69: {  	_ =	shalt  }
0x6a: {  	_ =	shalt  }
0x6b: {  	_ =	shalt  }
0x6c: {  	_ =	shalt  }
0x6d: {  	_ =	shalt  }
0x6e: {  	_ =	shalt  }
0x6f: {  	_ =	shalt  }
0x70: {  	_ =	shalt  }
0x71: {  	_ =	shalt  }
0x72: {  	_ =	shalt  }
0x73: {  	_ =	shalt  }
0x74: {  	_ =	shalt  }
0x75: {  	_ =	shalt  }
0x76: {  	_ =	shalt  }
0x77: {  	_ =	shalt  }
0x78: {  	_ =	shalt  }
0x79: {  	_ =	shalt  }
0x7a: {  	_ =	shalt  }
0x7b: {  	_ =	shalt  }
0x7c: {  	_ =	shalt  }
0x7d: {  	_ =	shalt  }
0x7e: {  	_ =	shalt  }
0x7f: {  	_ =	shalt  }
0x80: {  	_ =	shalt  }
0x81: {  	_ =	shalt  }
0x82: {  	_ =	shalt  }
0x83: {  	_ =	shalt  }
0x84: {  	_ =	shalt  }
0x85: {  	_ =	shalt  }
0x86: {  	_ =	shalt  }
0x87: {  	_ =	shalt  }
.Lfunc_end0:
.L_simem_size_0:
called_computation_lowered:
.L_overlay_start_0:
0x88: {  	s2 =	sld [smem:$0x3FD9]  }
0x89: {  	s3 =	sld [smem:$0x3FFE];
	_ =	sdelay $0x1  }
0x8a: {  	s1 =	srdreg.scid  }
0x8b: {  	s0 =	sand.u32 $0x1, s1  }
0x8c: {  	s17 =	sshll.u32 s0, $0xA;
	s2 =	sadd.s32 s3, s2  }
0x8d: {  	s2 =	sadd.s32 s2, s17  }
0x8e: {  	[smem:$0x3FC6] =	sst s2  }
0x8f: {  	_ = 	snop  }
0x90: {  	s2 =	sld [smem:$0x3FC9]  }
0x91: {  	s18 =	sld [smem:$0x3FD0];
	(tm) =	ssettm $0x1  }
0x92: {  	s4 =	sld [smem:$0x3FFB];
	_ =	sdelay $0x3  }
0x93: {  	_ =	strace s4  }
0x94: {  	s4 =	sld [smem:$0x3FFC];
	_ =	sdelay $0x3  }
0x95: {  	_ =	strace s4  }
0x96: {  	s4 =	sld [smem:$0x3FFD];
	_ =	sdelay $0x3  }
0x97: {  	_ =	strace s4  }
0x98: {  	_ =	strace $0x8FFFFFFF  }
0x99: {  	s19 =	sld [smem:$0x3FDB];
	_ =	sdelay $0x1  }
0x9a: {  	s5 =	simm.s32 $_scs_section_size  }
0x9b: {  	s6 =	simm.s32 $_size__tile_overlayer_lowered;
	s7 =	simm.s32 $_tile_overlayer_lowered  }
0x9c: {  	s22 =	simm.s32 $0x1BFF;
	s21 =	sshll.u32 s7, $0x1;
	s4 =	sadd.s32 s5, s19  }
0x9d: {  	s8 =	simm.s32 $0x0;
	s20 =	sshll.u32 s6, $0x1;
	s6 =	sadd.s32 s21, s4  }
0x9e: {  	[timem:s8], [sflag:s22] =	dma.local [hbm:s6], s20  }
0x9f: {  	_ =	swait.ge [sflag:s22], s20  }
0xa0: {  	s5 =	ssub.s32 $0x0, s20;
	[sflag:s22] =	ssyncset.done $0x0  }
0xa1: {  	[sflag:s22] =	ssyncadd.s32 s5;
	_ =	sdelay $0x1  }
0xa2: {  	s23 =	simm.s32 $0x1B8B  }
0xa3: {  	_ =	swait.ge [sflag:s23], $0x1  }
0xa4: {  	[sflag:s23] =	ssyncset.done $0x0  }
0xa5: {  	s25 =	simm.s32 $0x1B8E;
	s24 =	sld [smem:$0x3FFE];
	[sflag:s23] =	ssyncadd.s32 $0xFFFFFFFF  }
0xa6: {  	s26 =	simm.s32 $execute0_lowered;
	[smem:$0x3FD2] =	sst s25  }
0xa7: {  	s6 =	sshll.u32 s26, $0x1;
	_ =	strace $0x80000046;
	[dreg:$0x1] =	wrdreg $0xFFFFFFFF  }
0xa8: {  	s28 =	simm.s32 $_size_execute0_lowered;
	s4 =	sadd.s32 s4, s6;
	[dreg:$0x0] =	wrdreg $0x0  }
0xa9: {  	s6 =	sshll.u32 s28, $0x1;
	[dreg:$0x2] =	wrdreg s4  }
0xaa: {  	[dreg:$0x3] =	wrdreg s6  }
0xab: {  	[dreg:$0x4] =	wrdreg $0xC0  }
0xac: {  	_ =	task [dreg:s8], $0x5FFFF  }
0xad: {  	[dreg:$0x1] =	wrdreg $0xFFFFFFFF  }
0xae: {  	[dreg:$0x0] =	wrdreg $0x60  }
0xaf: {  	[dreg:$0x2] =	wrdreg s2  }
0xb0: {  	[dreg:$0x3] =	wrdreg s24  }
0xb1: {  	[dreg:$0x4] =	wrdreg s18  }
0xb2: {  	[dreg:$0x5] =	wrdreg $0x9  }
0xb3: {  	_ =	task.clear_ibuf [dreg:s8], $0x6FFFF;
	_ =	strace $0x90000046  }
0xb4: {  	s29 =	simm.s32 $0x9;
	_ =	strace $0x80000048  }
0xb5: {  	_ =	swait.ge [sflag:s29], $0x1  }
0xb6: {  	[sflag:s29] =	ssyncadd.s32 $0xFFFFFFFF  }
0xb7: {  	_ =	strace $0x90000048  }
0xb8: {  	_ =	sfence  }
0xb9: {  	s30 =	sld [smem:$0x0];
	_ =	sdelay $0x2  }
0xba: {  	s31 =	sshll.u32 s1, $0xD;
	s1 =	sshrl.u32 s1, $0x2  }
0xbb: {  	s3 =	sand.u32 $0x4000, s31;
	s1 =	sadd.s32 s1, s30  }
0xbc: {  	s0 =	sor.u32 s3, s0;
	s1 =	sshll.u32 s1, $0x11  }
0xbd: {  	s0 =	sor.u32 s1, s0  }
0xbe: {  	s0 =	sadd.s32 $0x8F2B, s0  }
0xbf: {  	[sflag:s0] =	ssyncadd.remote.s32 $0x1  }
0xc0: {  	_ =	sfence.sel $0xFFFF  }
0xc1: {  	[dreg:$0x0] =	wrdreg $0xFFFFFFFF;
	(pc) =	sbr.abs _section_cstart, $3  }
0xc2: {  	[dreg:$0x1] =	wrdreg $0xFFFFFFFF  }
0xc3: {  	_ =	task.clear_ibuf [dreg:s8], $0x2FFFF;
	_ =	strace $0x9FFFFFFF  }
0xc4: {  	(tm) =	ssettm $0x7FFFFFFF  }
0xc5: {  	_ =	shalt  }
tec
execute0_lowered:
.L_overlay_start_1:
0x0: {  	(tag) =	ssettag $0x1  }
0x1: {  	s1 =	rddreg [dreg:$0x0]  }
0x2: {  	s2 =	srdreg.scid;
	s0 =	stileid.u32  }
0x3: {  	s4 =	rddreg [dreg:$0x1];
	s16 =	sand.u32 $0x1, s2;
	s31 =	sshll.u32 s0, $0x1  }
0x4: {  	s9 =	rddreg [dreg:$0x2];
	s6 =	sor.u32 s16, s31  }
0x5: {  	s3 =	simm.s32 $0x0;
	s2 =	rddreg [dreg:$0x3];
	s5 =	sshll.u32 s6, $0x7  }
0x6: {  	[smem:$0x7FF] =	sst s3;
	s4 =	sadd.s32 s5, s4  }
0x7: {  	_ =	strace $0x80000047;
	s5 =	sadd.s32 $0x400, s4;
	s4 =	simm.s32 $0x2  }
0x8: {  	[tilespmem:s3], [sflag:$0x2] =	stream.linear.gather [hbm4b:s5+s3], $0x280, $0x38;
	[tilespmem:$0x2400] =	vst v63  }
0x9: {  	_ =	swait.ge [sflag:s4], $0x280  }
0xa: {  	s7 =	simm.s32 $0x400;
	s8 =	simm.s32 $0x1;
	[sflag:s4] =	ssyncset.done $0x0  }
0xb: {  	s10 =	smul.u32 $0xA000, s6;
	s6 =	simm.s32 $0x40;
	[sflag:s4] =	ssyncadd.s32 $0xFFFFFD80  }
0xc: {  	[tilespmem:s7], [sflag:$0x1] =	stream.indirect.gather [hbm4b:s1+s6], $0x80, s3, s6, $0xb8;
	[tilespmem:$0x2400] =	vst v63  }
0xd: {  	_ =	swait.ge [sflag:s8], $0x2000  }
0xe: {  	s10 =	sshrl.u32 s10, $0x3;
	[sflag:s8] =	ssyncset.done $0x0  }
0xf: {  	s9 =	sadd.s32 s9, s10;
	[sflag:s8] =	ssyncadd.s32 $0xFFFFE000  }
0x10: {  	[hbm4b:s9+s3] =	stream.linear.scatter [tilespmem:s7], [sflag:$0x2], $0x2000, $0x38;
	[tilespmem:$0x2400] =	vst v63  }
0x11: {  	_ =	swait.ge [sflag:s4], $0x2000  }
0x12: {  	[sflag:s4] =	ssyncset.done $0x0  }
0x13: {  	s10 =	simm.s32 $0x80;
	[sflag:s4] =	ssyncadd.s32 $0xFFFFE000  }
0x14: {  	[tilespmem:s7], [sflag:$0x1] =	stream.indirect.gather [hbm4b:s1+s6], $0x80, s10, s6, $0xb8;
	[tilespmem:$0x2400] =	vst v63  }
0x15: {  	_ =	swait.ge [sflag:s8], $0x2000  }
0x16: {  	[sflag:s8] =	ssyncset.done $0x0  }
0x17: {  	s11 =	sadd.s32 $0x400, s9;
	[sflag:s8] =	ssyncadd.s32 $0xFFFFE000  }
0x18: {  	[hbm4b:s11+s3] =	stream.linear.scatter [tilespmem:s7], [sflag:$0x2], $0x2000, $0x38;
	[tilespmem:$0x2400] =	vst v63  }
0x19: {  	_ =	swait.ge [sflag:s4], $0x2000  }
0x1a: {  	[sflag:s4] =	ssyncset.done $0x0  }
0x1b: {  	s12 =	simm.s32 $0x100;
	[sflag:s4] =	ssyncadd.s32 $0xFFFFE000  }
0x1c: {  	[tilespmem:s7], [sflag:$0x1] =	stream.indirect.gather [hbm4b:s1+s6], $0x80, s12, s6, $0xb8;
	[tilespmem:$0x2400] =	vst v63  }
0x1d: {  	_ =	swait.ge [sflag:s8], $0x2000  }
0x1e: {  	[sflag:s8] =	ssyncset.done $0x0  }
0x1f: {  	s13 =	sadd.s32 $0x800, s9;
	[sflag:s8] =	ssyncadd.s32 $0xFFFFE000  }
0x20: {  	[hbm4b:s13+s3] =	stream.linear.scatter [tilespmem:s7], [sflag:$0x2], $0x2000, $0x38;
	[tilespmem:$0x2400] =	vst v63  }
0x21: {  	_ =	swait.ge [sflag:s4], $0x2000  }
0x22: {  	[sflag:s4] =	ssyncset.done $0x0  }
0x23: {  	s14 =	simm.s32 $0x180;
	[sflag:s4] =	ssyncadd.s32 $0xFFFFE000  }
0x24: {  	[tilespmem:s7], [sflag:$0x1] =	stream.indirect.gather [hbm4b:s1+s6], $0x80, s14, s6, $0xb8;
	[tilespmem:$0x2400] =	vst v63  }
0x25: {  	_ =	swait.ge [sflag:s8], $0x2000  }
0x26: {  	[sflag:s8] =	ssyncset.done $0x0  }
0x27: {  	s17 =	ssub.s32 $0x2, s16;
	s15 =	sadd.s32 $0xC00, s9;
	[sflag:s8] =	ssyncadd.s32 $0xFFFFE000  }
0x28: {  	[hbm4b:s15+s3] =	stream.linear.scatter [tilespmem:s7], [sflag:$0x2], $0x2000, $0x38;
	[tilespmem:$0x2400] =	vst v63  }
0x29: {  	s18 =	sshrl.u32 s17, $0x1;
	_ =	swait.ge [sflag:s4], $0x2000  }
0x2a: {  	s17 =	ssub.s32 s17, s18;
	[sflag:s4] =	ssyncset.done $0x0  }
0x2b: {  	s16 =	simm.s32 $0x200;
	s18 =	smax.u32 s17, $0x1;
	[sflag:s4] =	ssyncadd.s32 $0xFFFFE000  }
0x2c: {  	[tilespmem:s7], [sflag:$0x1] =	stream.indirect.gather [hbm4b:s1+s6], $0x80, s16, s6, $0xb8;
	[tilespmem:$0x2400] =	vst v63  }
0x2d: {  	p0 =	sne.s32 s18, $0x1;
	_ =	swait.ge [sflag:s8], $0x2000  }
.Ltmp0:
0x2e: {  	[sflag:s8] =	ssyncset.done $0x0;
	(pc) =	sbr.rel @!p0 .LBB2_2-.Ltmp0, $4  }
0x2f: {  	s17 =	sadd.s32 $0x1000, s9;
	[sflag:s8] =	ssyncadd.s32 $0xFFFFE000  }
0x30: {  	[hbm4b:s17+s3] =	stream.linear.scatter [tilespmem:s7], [sflag:$0x2], $0x2000, $0x38;
	[tilespmem:$0x2400] =	vst v63  }
0x31: {  	_ =	swait.ge [sflag:s4], $0x2000  }
0x32: {  	s18 =	sadd.s32 $0xFFFFFFFF, s18;
	[sflag:s4] =	ssyncset.done $0x0  }
.LBB2_1:
0x33: {  	p0 =	sne.s32 s18, $0x1;
	s18 =	sadd.s32 $0xFFFFFFFF, s18;
	[sflag:s4] =	ssyncadd.s32 $0xFFFFE000  }
0x34: {  	[tilespmem:s3], [sflag:$0x2] =	stream.linear.gather [hbm4b:s5+s3], $0x280, $0x38;
	[tilespmem:$0x2400] =	vst v63  }
0x35: {  	_ =	swait.ge [sflag:s4], $0x280  }
0x36: {  	[sflag:s4] =	ssyncset.done $0x0  }
0x37: {  	[sflag:s4] =	ssyncadd.s32 $0xFFFFFD80  }
0x38: {  	[tilespmem:s7], [sflag:$0x1] =	stream.indirect.gather [hbm4b:s1+s6], $0x80, s3, s6, $0xb8;
	[tilespmem:$0x2400] =	vst v63  }
0x39: {  	_ =	swait.ge [sflag:s8], $0x2000  }
0x3a: {  	[sflag:s8] =	ssyncset.done $0x0  }
0x3b: {  	[sflag:s8] =	ssyncadd.s32 $0xFFFFE000  }
0x3c: {  	[hbm4b:s9+s3] =	stream.linear.scatter [tilespmem:s7], [sflag:$0x2], $0x2000, $0x38;
	[tilespmem:$0x2400] =	vst v63  }
0x3d: {  	_ =	swait.ge [sflag:s4], $0x2000  }
0x3e: {  	[sflag:s4] =	ssyncset.done $0x0  }
0x3f: {  	[sflag:s4] =	ssyncadd.s32 $0xFFFFE000  }
0x40: {  	[tilespmem:s7], [sflag:$0x1] =	stream.indirect.gather [hbm4b:s1+s6], $0x80, s10, s6, $0xb8;
	[tilespmem:$0x2400] =	vst v63  }
0x41: {  	_ =	swait.ge [sflag:s8], $0x2000  }
0x42: {  	[sflag:s8] =	ssyncset.done $0x0  }
0x43: {  	[sflag:s8] =	ssyncadd.s32 $0xFFFFE000  }
0x44: {  	[hbm4b:s11+s3] =	stream.linear.scatter [tilespmem:s7], [sflag:$0x2], $0x2000, $0x38;
	[tilespmem:$0x2400] =	vst v63  }
0x45: {  	_ =	swait.ge [sflag:s4], $0x2000  }
0x46: {  	[sflag:s4] =	ssyncset.done $0x0  }
0x47: {  	[sflag:s4] =	ssyncadd.s32 $0xFFFFE000  }
0x48: {  	[tilespmem:s7], [sflag:$0x1] =	stream.indirect.gather [hbm4b:s1+s6], $0x80, s12, s6, $0xb8;
	[tilespmem:$0x2400] =	vst v63  }
0x49: {  	_ =	swait.ge [sflag:s8], $0x2000  }
0x4a: {  	[sflag:s8] =	ssyncset.done $0x0  }
0x4b: {  	[sflag:s8] =	ssyncadd.s32 $0xFFFFE000  }
0x4c: {  	[hbm4b:s13+s3] =	stream.linear.scatter [tilespmem:s7], [sflag:$0x2], $0x2000, $0x38;
	[tilespmem:$0x2400] =	vst v63  }
0x4d: {  	_ =	swait.ge [sflag:s4], $0x2000  }
0x4e: {  	[sflag:s4] =	ssyncset.done $0x0  }
0x4f: {  	[sflag:s4] =	ssyncadd.s32 $0xFFFFE000  }
0x50: {  	[tilespmem:s7], [sflag:$0x1] =	stream.indirect.gather [hbm4b:s1+s6], $0x80, s14, s6, $0xb8;
	[tilespmem:$0x2400] =	vst v63  }
0x51: {  	_ =	swait.ge [sflag:s8], $0x2000  }
0x52: {  	[sflag:s8] =	ssyncset.done $0x0  }
0x53: {  	[sflag:s8] =	ssyncadd.s32 $0xFFFFE000  }
0x54: {  	[hbm4b:s15+s3] =	stream.linear.scatter [tilespmem:s7], [sflag:$0x2], $0x2000, $0x38;
	[tilespmem:$0x2400] =	vst v63  }
0x55: {  	_ =	swait.ge [sflag:s4], $0x2000  }
0x56: {  	[sflag:s4] =	ssyncset.done $0x0  }
0x57: {  	[sflag:s4] =	ssyncadd.s32 $0xFFFFE000  }
0x58: {  	[tilespmem:s7], [sflag:$0x1] =	stream.indirect.gather [hbm4b:s1+s6], $0x80, s16, s6, $0xb8;
	[tilespmem:$0x2400] =	vst v63  }
0x59: {  	_ =	swait.ge [sflag:s8], $0x2000  }
.Ltmp1:
0x5a: {  	[sflag:s8] =	ssyncset.done $0x0;
	(pc) =	sbr.rel @p0 .LBB2_1-.Ltmp1, $4  }
0x5b: {  	[sflag:s8] =	ssyncadd.s32 $0xFFFFE000  }
0x5c: {  	[hbm4b:s17+s3] =	stream.linear.scatter [tilespmem:s7], [sflag:$0x2], $0x2000, $0x38;
	[tilespmem:$0x2400] =	vst v63  }
0x5d: {  	_ =	swait.ge [sflag:s4], $0x2000  }
0x5e: {  	[sflag:s4] =	ssyncset.done $0x0  }
.LBB2_2:
0x5f: {  	[sflag:s4] =	ssyncadd.s32 $0xFFFFE000  }
0x60: {  	_ =	sfence.sel $0x180000  }
0x61: {  	[bflag:$0x0] =	sbarrier.arrive $0xFFFF  }
0x62: {  	p0 =	sne.s32 s0, $0x0;
	_ =	strace $0x90000047  }
0x63: {  	s0 =	sadd.s32 @!p0 $0x100000, s2;
	[bflag:$0x2] =	sbarrier.arrive $0xFFFF  }
0x64: {  	[sflag:s0] =	ssyncadd.tile.s32 @!p0 $0x1;
	_ =	shalt  }
.Lfunc_end2:
_tile_overlayer_lowered:
.L_overlay_start_2:
0x65: {  	(tag) =	ssettag $0x2  }
0x66: {  	s0 =	rddreg [dreg:$0x0];
	s2 =	stileid.u32  }
0x67: {  	s1 =	rddreg [dreg:$0x1];
	p0 =	sne.s32 s2, $0x0  }
0x68: {  	s3 =	rddreg [dreg:$0x2];
	[bflag:$0x3] =	sbarrier.arrive $0xFFFF;
	s2 =	simm.s32 @!p0 $0x1C02  }
0x69: {  	[timem:s3], [sflag:s2] =	dma.local @!p0 [hbm:s0], s1  }
0x6a: {  	s0 =	simm.s32 @!p0 $0x2  }
0x6b: {  	_ =	swait.ge @!p0 [sflag:s0], s1  }
0x6c: {  	s1 =	ssub.s32 @!p0 $0x0, s1;
	[sflag:s0] =	ssyncset.done @!p0 $0x0  }
0x6d: {  	[sflag:s0] =	ssyncadd.s32 @!p0 s1  }
0x6e: {  	[bflag:$0x3] =	sbarrier.arrive $0xFFFF  }
0x6f: {  	_ =	shalt  }

</sc_bundles>
